<compile_context>
chip_gen: v7x
topology: tpu7x:2x2x1
jax: 0.10.2.dev20260603
libtpu: 0.0.44.dev20260713+nightly
codegen_flags: <defaults>
</compile_context>

<pallas_src>
import functools

import jax
import jax.numpy as jnp
from jax import lax
from jax.experimental import pallas as pl
from jax.experimental.pallas import tpu as pltpu
from jax.experimental.pallas import tpu_sc as plsc


def _mm_kernel(x_ref, w_ref, b_ref, y_ref):
    y = jax.lax.dot_general(
        x_ref[...], w_ref[...], (((1,), (1,)), ((), ())),
        preferred_element_type=jnp.float32)
    y_ref[...] = jnp.maximum(y + b_ref[...], 0.0)


def kernel(X, sample_domain, W, b):
    n, d = X.shape
    Y = pl.pallas_call(
        _mm_kernel,
        out_shape=jax.ShapeDtypeStruct((n, d), jnp.float32),
    )(X, W, b.reshape(1, d))

    mesh = plsc.VectorSubcoreMesh(core_axis_name="c", subcore_axis_name="s")
    info = plsc.get_sparse_core_info()
    nsub = info.num_subcores
    nw = info.num_cores * nsub
    rows_per_w = n // nw

    def _bcast_body(y_hbm, o_hbm, spmem):
        c = lax.axis_index("c")
        s = lax.axis_index("s")

        @pl.when(s == 0)
        def _():
            pltpu.sync_copy(y_hbm, spmem)

        plsc.subcore_barrier()
        base = (c * nsub + s) * rows_per_w
        for j in range(rows_per_w):
            pltpu.sync_copy(spmem, o_hbm.at[base + j])

    out = functools.partial(
        pl.kernel,
        out_type=jax.ShapeDtypeStruct((n, n, d), jnp.float32),
        mesh=mesh,
        scratch_types=[pltpu.VMEM_SHARED((n, d), jnp.float32)],
    )(_bcast_body)(Y)
    return out

# --- scband reference (transcript-rebuilt; emitter-appended) ---
"""Pipeline reference for scband-multi-source-module-75462575391402 (READ-ONLY COPY).

The authoritative reference and input builder live on the scoring server;
editing this copy changes nothing except your own understanding.
"""

import jax, jax.numpy as jnp
import numpy as np

D_MODEL = 768
N = 256
N_DOMAINS = 4

def setup_inputs(seed: int = 0) -> dict:
    key = jax.random.key(seed)
    k1, k2, k3, k4 = jax.random.split(key, 4)
    X = jax.random.normal(k1, (N, D_MODEL), dtype=jnp.float32)
    sample_domain = jax.random.randint(k2, (N,), 0, N_DOMAINS)
    # NOTE: the original code builds the domain-specific ModuleList from a
    # generator repeating the SAME nn.Linear instance, so every 'domain
    # specific' layer shares one weight/bias. We therefore materialize a
    # single (W, b) pair.
    W = jax.random.normal(k3, (D_MODEL, D_MODEL), dtype=jnp.float32) * 0.02
    b = jax.random.normal(k4, (D_MODEL,), dtype=jnp.float32) * 0.02
    return {"X": X, "sample_domain": sample_domain, "W": W, "b": b}


def reference(X, sample_domain, W, b):
    # is_source=True path
    domain_present = jnp.unique(sample_domain, size=N_DOMAINS, fill_value=N_DOMAINS)  # sorted unique domains
    # dict_idx remap: position of each sample's domain in the sorted unique list
    sample_domain_ = jnp.searchsorted(domain_present, sample_domain)
    D = N_DOMAINS
    # layer_0: ModuleList of (shared) Linear applied once per present domain,
    # each applied to the FULL batch, then stacked on dim 0 -> [D, N, d]
    per_domain = [X @ W.T + b for _ in range(D)]
    stacked = jnp.stack(per_domain, axis=0)
    # output_layer_0: SelectDomainModule -> X = X[sample_domain_]
    # indexing dim 0 of [D, N, d] with an [N] index vector gives [N, N, d]
    sel = stacked[sample_domain_]
    # layer_1: ReLU (not domain specific)
    out = jax.nn.relu(sel)
    return out

if __name__ == "__main__":
    import jax
    _d = setup_inputs()
    print(jax.jit(kernel)(*tuple(_d.values())))

</pallas_src>

<mosaic_0001>
#map = affine_map<(d0, d1) -> (0, 0)>
#map1 = affine_map<(d0, d1) -> (0, 0, 0)>
module attributes {stable_mosaic.version = 14 : i64} {
  func.func @_bcast_body(%arg0: i32, %arg1: i32, %arg2: memref<256x768xf32, #tpu.memory_space<hbm>>, %arg3: memref<256x256x768xf32, #tpu.memory_space<hbm>>, %arg4: memref<256x768xf32, #tpu.memory_space<vmem_shared>>) attributes {dimension_semantics = [#tpu.dimension_semantics<core_parallel>, #tpu.dimension_semantics<subcore_parallel>], iteration_bounds = array<i64: 2, 16>, scalar_prefetch = 0 : i64, scratch_operands = 1 : i64, tpu.core_type = #tpu.core_type<sc_vector_subcore>, window_params = [{transform_indices = #map}, {transform_indices = #map1}]} {
    %eq3A = arith.constant 0 : i32
    %eq3A_0 = arith.cmpi eq, %arg1, %eq3A : i32
    %convert_element_type3A = arith.extui %eq3A_0 : i1 to i32
    %cond3A = arith.constant 0 : i32
    %cond3A_1 = arith.cmpi ne, %convert_element_type3A, %cond3A : i32
    scf.if %cond3A_1 {
      "tpu.region"() ({
        %run_scoped3A = tpu.sem_alloc : memref<!tpu.dma_semaphore, #tpu.memory_space<semaphore_mem>>
        tpu.enqueue_dma source(%arg2 : memref<256x768xf32, #tpu.memory_space<hbm>>) target(%arg4 : memref<256x768xf32, #tpu.memory_space<vmem_shared>>) target_semaphore(%run_scoped3A : memref<!tpu.dma_semaphore, #tpu.memory_space<semaphore_mem>>)
        tpu.wait_dma2 semaphore(%run_scoped3A : memref<!tpu.dma_semaphore, #tpu.memory_space<semaphore_mem>>) src(%arg2 : memref<256x768xf32, #tpu.memory_space<hbm>>) dst(%arg4 : memref<256x768xf32, #tpu.memory_space<vmem_shared>>)
        tpu.yield
      }) : () -> ()
    } else {
    }
    %barrier3A = arith.constant 0 : index
    tpu.barrier barrier_id(%barrier3A)
    %mul3A = arith.constant 16 : i32
    %mul3A_2 = arith.muli %arg0, %mul3A : i32
    %add3A = arith.addi %mul3A_2, %arg1 : i32
    %mul3A_3 = arith.constant 8 : i32
    %mul3A_4 = arith.muli %add3A, %mul3A_3 : i32
    %add3A_5 = arith.constant 0 : i32
    %add3A_6 = arith.addi %mul3A_4, %add3A_5 : i32
    "tpu.region"() ({
      %run_scoped3A = tpu.sem_alloc : memref<!tpu.dma_semaphore, #tpu.memory_space<semaphore_mem>>
      %dma_start3A = arith.constant 0 : i32
      %dma_start3A_21 = arith.constant 0 : i32
      %dma_start3A_22 = tpu.memref_slice %arg3[%add3A_6, %dma_start3A, %dma_start3A_21] : memref<256x256x768xf32, #tpu.memory_space<hbm>> -> memref<1x256x768xf32, #tpu.memory_space<hbm>>
      %dma_start3A_23 = tpu.memref_squeeze %dma_start3A_22 : memref<1x256x768xf32, #tpu.memory_space<hbm>> -> memref<256x768xf32, #tpu.memory_space<hbm>>
      tpu.enqueue_dma source(%arg4 : memref<256x768xf32, #tpu.memory_space<vmem_shared>>) target(%dma_start3A_23 : memref<256x768xf32, #tpu.memory_space<hbm>>) target_semaphore(%run_scoped3A : memref<!tpu.dma_semaphore, #tpu.memory_space<semaphore_mem>>)
      %dma_wait3A = arith.constant 0 : i32
      %dma_wait3A_24 = arith.constant 0 : i32
      %dma_wait3A_25 = tpu.memref_slice %arg3[%add3A_6, %dma_wait3A, %dma_wait3A_24] : memref<256x256x768xf32, #tpu.memory_space<hbm>> -> memref<1x256x768xf32, #tpu.memory_space<hbm>>
      %dma_wait3A_26 = tpu.memref_squeeze %dma_wait3A_25 : memref<1x256x768xf32, #tpu.memory_space<hbm>> -> memref<256x768xf32, #tpu.memory_space<hbm>>
      tpu.wait_dma2 semaphore(%run_scoped3A : memref<!tpu.dma_semaphore, #tpu.memory_space<semaphore_mem>>) src(%arg4 : memref<256x768xf32, #tpu.memory_space<vmem_shared>>) dst(%dma_wait3A_26 : memref<256x768xf32, #tpu.memory_space<hbm>>)
      tpu.yield
    }) : () -> ()
    %add3A_7 = arith.constant 1 : i32
    %add3A_8 = arith.addi %mul3A_4, %add3A_7 : i32
    "tpu.region"() ({
      %run_scoped3A = tpu.sem_alloc : memref<!tpu.dma_semaphore, #tpu.memory_space<semaphore_mem>>
      %dma_start3A = arith.constant 0 : i32
      %dma_start3A_21 = arith.constant 0 : i32
      %dma_start3A_22 = tpu.memref_slice %arg3[%add3A_8, %dma_start3A, %dma_start3A_21] : memref<256x256x768xf32, #tpu.memory_space<hbm>> -> memref<1x256x768xf32, #tpu.memory_space<hbm>>
      %dma_start3A_23 = tpu.memref_squeeze %dma_start3A_22 : memref<1x256x768xf32, #tpu.memory_space<hbm>> -> memref<256x768xf32, #tpu.memory_space<hbm>>
      tpu.enqueue_dma source(%arg4 : memref<256x768xf32, #tpu.memory_space<vmem_shared>>) target(%dma_start3A_23 : memref<256x768xf32, #tpu.memory_space<hbm>>) target_semaphore(%run_scoped3A : memref<!tpu.dma_semaphore, #tpu.memory_space<semaphore_mem>>)
      %dma_wait3A = arith.constant 0 : i32
      %dma_wait3A_24 = arith.constant 0 : i32
      %dma_wait3A_25 = tpu.memref_slice %arg3[%add3A_8, %dma_wait3A, %dma_wait3A_24] : memref<256x256x768xf32, #tpu.memory_space<hbm>> -> memref<1x256x768xf32, #tpu.memory_space<hbm>>
      %dma_wait3A_26 = tpu.memref_squeeze %dma_wait3A_25 : memref<1x256x768xf32, #tpu.memory_space<hbm>> -> memref<256x768xf32, #tpu.memory_space<hbm>>
      tpu.wait_dma2 semaphore(%run_scoped3A : memref<!tpu.dma_semaphore, #tpu.memory_space<semaphore_mem>>) src(%arg4 : memref<256x768xf32, #tpu.memory_space<vmem_shared>>) dst(%dma_wait3A_26 : memref<256x768xf32, #tpu.memory_space<hbm>>)
      tpu.yield
    }) : () -> ()
    %add3A_9 = arith.constant 2 : i32
    %add3A_10 = arith.addi %mul3A_4, %add3A_9 : i32
    "tpu.region"() ({
      %run_scoped3A = tpu.sem_alloc : memref<!tpu.dma_semaphore, #tpu.memory_space<semaphore_mem>>
      %dma_start3A = arith.constant 0 : i32
      %dma_start3A_21 = arith.constant 0 : i32
      %dma_start3A_22 = tpu.memref_slice %arg3[%add3A_10, %dma_start3A, %dma_start3A_21] : memref<256x256x768xf32, #tpu.memory_space<hbm>> -> memref<1x256x768xf32, #tpu.memory_space<hbm>>
      %dma_start3A_23 = tpu.memref_squeeze %dma_start3A_22 : memref<1x256x768xf32, #tpu.memory_space<hbm>> -> memref<256x768xf32, #tpu.memory_space<hbm>>
      tpu.enqueue_dma source(%arg4 : memref<256x768xf32, #tpu.memory_space<vmem_shared>>) target(%dma_start3A_23 : memref<256x768xf32, #tpu.memory_space<hbm>>) target_semaphore(%run_scoped3A : memref<!tpu.dma_semaphore, #tpu.memory_space<semaphore_mem>>)
      %dma_wait3A = arith.constant 0 : i32
      %dma_wait3A_24 = arith.constant 0 : i32
      %dma_wait3A_25 = tpu.memref_slice %arg3[%add3A_10, %dma_wait3A, %dma_wait3A_24] : memref<256x256x768xf32, #tpu.memory_space<hbm>> -> memref<1x256x768xf32, #tpu.memory_space<hbm>>
      %dma_wait3A_26 = tpu.memref_squeeze %dma_wait3A_25 : memref<1x256x768xf32, #tpu.memory_space<hbm>> -> memref<256x768xf32, #tpu.memory_space<hbm>>
      tpu.wait_dma2 semaphore(%run_scoped3A : memref<!tpu.dma_semaphore, #tpu.memory_space<semaphore_mem>>) src(%arg4 : memref<256x768xf32, #tpu.memory_space<vmem_shared>>) dst(%dma_wait3A_26 : memref<256x768xf32, #tpu.memory_space<hbm>>)
      tpu.yield
    }) : () -> ()
    %add3A_11 = arith.constant 3 : i32
    %add3A_12 = arith.addi %mul3A_4, %add3A_11 : i32
    "tpu.region"() ({
      %run_scoped3A = tpu.sem_alloc : memref<!tpu.dma_semaphore, #tpu.memory_space<semaphore_mem>>
      %dma_start3A = arith.constant 0 : i32
      %dma_start3A_21 = arith.constant 0 : i32
      %dma_start3A_22 = tpu.memref_slice %arg3[%add3A_12, %dma_start3A, %dma_start3A_21] : memref<256x256x768xf32, #tpu.memory_space<hbm>> -> memref<1x256x768xf32, #tpu.memory_space<hbm>>
      %dma_start3A_23 = tpu.memref_squeeze %dma_start3A_22 : memref<1x256x768xf32, #tpu.memory_space<hbm>> -> memref<256x768xf32, #tpu.memory_space<hbm>>
      tpu.enqueue_dma source(%arg4 : memref<256x768xf32, #tpu.memory_space<vmem_shared>>) target(%dma_start3A_23 : memref<256x768xf32, #tpu.memory_space<hbm>>) target_semaphore(%run_scoped3A : memref<!tpu.dma_semaphore, #tpu.memory_space<semaphore_mem>>)
      %dma_wait3A = arith.constant 0 : i32
      %dma_wait3A_24 = arith.constant 0 : i32
      %dma_wait3A_25 = tpu.memref_slice %arg3[%add3A_12, %dma_wait3A, %dma_wait3A_24] : memref<256x256x768xf32, #tpu.memory_space<hbm>> -> memref<1x256x768xf32, #tpu.memory_space<hbm>>
      %dma_wait3A_26 = tpu.memref_squeeze %dma_wait3A_25 : memref<1x256x768xf32, #tpu.memory_space<hbm>> -> memref<256x768xf32, #tpu.memory_space<hbm>>
      tpu.wait_dma2 semaphore(%run_scoped3A : memref<!tpu.dma_semaphore, #tpu.memory_space<semaphore_mem>>) src(%arg4 : memref<256x768xf32, #tpu.memory_space<vmem_shared>>) dst(%dma_wait3A_26 : memref<256x768xf32, #tpu.memory_space<hbm>>)
      tpu.yield
    }) : () -> ()
    %add3A_13 = arith.constant 4 : i32
    %add3A_14 = arith.addi %mul3A_4, %add3A_13 : i32
    "tpu.region"() ({
      %run_scoped3A = tpu.sem_alloc : memref<!tpu.dma_semaphore, #tpu.memory_space<semaphore_mem>>
      %dma_start3A = arith.constant 0 : i32
      %dma_start3A_21 = arith.constant 0 : i32
      %dma_start3A_22 = tpu.memref_slice %arg3[%add3A_14, %dma_start3A, %dma_start3A_21] : memref<256x256x768xf32, #tpu.memory_space<hbm>> -> memref<1x256x768xf32, #tpu.memory_space<hbm>>
      %dma_start3A_23 = tpu.memref_squeeze %dma_start3A_22 : memref<1x256x768xf32, #tpu.memory_space<hbm>> -> memref<256x768xf32, #tpu.memory_space<hbm>>
      tpu.enqueue_dma source(%arg4 : memref<256x768xf32, #tpu.memory_space<vmem_shared>>) target(%dma_start3A_23 : memref<256x768xf32, #tpu.memory_space<hbm>>) target_semaphore(%run_scoped3A : memref<!tpu.dma_semaphore, #tpu.memory_space<semaphore_mem>>)
      %dma_wait3A = arith.constant 0 : i32
      %dma_wait3A_24 = arith.constant 0 : i32
      %dma_wait3A_25 = tpu.memref_slice %arg3[%add3A_14, %dma_wait3A, %dma_wait3A_24] : memref<256x256x768xf32, #tpu.memory_space<hbm>> -> memref<1x256x768xf32, #tpu.memory_space<hbm>>
      %dma_wait3A_26 = tpu.memref_squeeze %dma_wait3A_25 : memref<1x256x768xf32, #tpu.memory_space<hbm>> -> memref<256x768xf32, #tpu.memory_space<hbm>>
      tpu.wait_dma2 semaphore(%run_scoped3A : memref<!tpu.dma_semaphore, #tpu.memory_space<semaphore_mem>>) src(%arg4 : memref<256x768xf32, #tpu.memory_space<vmem_shared>>) dst(%dma_wait3A_26 : memref<256x768xf32, #tpu.memory_space<hbm>>)
      tpu.yield
    }) : () -> ()
    %add3A_15 = arith.constant 5 : i32
    %add3A_16 = arith.addi %mul3A_4, %add3A_15 : i32
    "tpu.region"() ({
      %run_scoped3A = tpu.sem_alloc : memref<!tpu.dma_semaphore, #tpu.memory_space<semaphore_mem>>
      %dma_start3A = arith.constant 0 : i32
      %dma_start3A_21 = arith.constant 0 : i32
      %dma_start3A_22 = tpu.memref_slice %arg3[%add3A_16, %dma_start3A, %dma_start3A_21] : memref<256x256x768xf32, #tpu.memory_space<hbm>> -> memref<1x256x768xf32, #tpu.memory_space<hbm>>
      %dma_start3A_23 = tpu.memref_squeeze %dma_start3A_22 : memref<1x256x768xf32, #tpu.memory_space<hbm>> -> memref<256x768xf32, #tpu.memory_space<hbm>>
      tpu.enqueue_dma source(%arg4 : memref<256x768xf32, #tpu.memory_space<vmem_shared>>) target(%dma_start3A_23 : memref<256x768xf32, #tpu.memory_space<hbm>>) target_semaphore(%run_scoped3A : memref<!tpu.dma_semaphore, #tpu.memory_space<semaphore_mem>>)
      %dma_wait3A = arith.constant 0 : i32
      %dma_wait3A_24 = arith.constant 0 : i32
      %dma_wait3A_25 = tpu.memref_slice %arg3[%add3A_16, %dma_wait3A, %dma_wait3A_24] : memref<256x256x768xf32, #tpu.memory_space<hbm>> -> memref<1x256x768xf32, #tpu.memory_space<hbm>>
      %dma_wait3A_26 = tpu.memref_squeeze %dma_wait3A_25 : memref<1x256x768xf32, #tpu.memory_space<hbm>> -> memref<256x768xf32, #tpu.memory_space<hbm>>
      tpu.wait_dma2 semaphore(%run_scoped3A : memref<!tpu.dma_semaphore, #tpu.memory_space<semaphore_mem>>) src(%arg4 : memref<256x768xf32, #tpu.memory_space<vmem_shared>>) dst(%dma_wait3A_26 : memref<256x768xf32, #tpu.memory_space<hbm>>)
      tpu.yield
    }) : () -> ()
    %add3A_17 = arith.constant 6 : i32
    %add3A_18 = arith.addi %mul3A_4, %add3A_17 : i32
    "tpu.region"() ({
      %run_scoped3A = tpu.sem_alloc : memref<!tpu.dma_semaphore, #tpu.memory_space<semaphore_mem>>
      %dma_start3A = arith.constant 0 : i32
      %dma_start3A_21 = arith.constant 0 : i32
      %dma_start3A_22 = tpu.memref_slice %arg3[%add3A_18, %dma_start3A, %dma_start3A_21] : memref<256x256x768xf32, #tpu.memory_space<hbm>> -> memref<1x256x768xf32, #tpu.memory_space<hbm>>
      %dma_start3A_23 = tpu.memref_squeeze %dma_start3A_22 : memref<1x256x768xf32, #tpu.memory_space<hbm>> -> memref<256x768xf32, #tpu.memory_space<hbm>>
      tpu.enqueue_dma source(%arg4 : memref<256x768xf32, #tpu.memory_space<vmem_shared>>) target(%dma_start3A_23 : memref<256x768xf32, #tpu.memory_space<hbm>>) target_semaphore(%run_scoped3A : memref<!tpu.dma_semaphore, #tpu.memory_space<semaphore_mem>>)
      %dma_wait3A = arith.constant 0 : i32
      %dma_wait3A_24 = arith.constant 0 : i32
      %dma_wait3A_25 = tpu.memref_slice %arg3[%add3A_18, %dma_wait3A, %dma_wait3A_24] : memref<256x256x768xf32, #tpu.memory_space<hbm>> -> memref<1x256x768xf32, #tpu.memory_space<hbm>>
      %dma_wait3A_26 = tpu.memref_squeeze %dma_wait3A_25 : memref<1x256x768xf32, #tpu.memory_space<hbm>> -> memref<256x768xf32, #tpu.memory_space<hbm>>
      tpu.wait_dma2 semaphore(%run_scoped3A : memref<!tpu.dma_semaphore, #tpu.memory_space<semaphore_mem>>) src(%arg4 : memref<256x768xf32, #tpu.memory_space<vmem_shared>>) dst(%dma_wait3A_26 : memref<256x768xf32, #tpu.memory_space<hbm>>)
      tpu.yield
    }) : () -> ()
    %add3A_19 = arith.constant 7 : i32
    %add3A_20 = arith.addi %mul3A_4, %add3A_19 : i32
    "tpu.region"() ({
      %run_scoped3A = tpu.sem_alloc : memref<!tpu.dma_semaphore, #tpu.memory_space<semaphore_mem>>
      %dma_start3A = arith.constant 0 : i32
      %dma_start3A_21 = arith.constant 0 : i32
      %dma_start3A_22 = tpu.memref_slice %arg3[%add3A_20, %dma_start3A, %dma_start3A_21] : memref<256x256x768xf32, #tpu.memory_space<hbm>> -> memref<1x256x768xf32, #tpu.memory_space<hbm>>
      %dma_start3A_23 = tpu.memref_squeeze %dma_start3A_22 : memref<1x256x768xf32, #tpu.memory_space<hbm>> -> memref<256x768xf32, #tpu.memory_space<hbm>>
      tpu.enqueue_dma source(%arg4 : memref<256x768xf32, #tpu.memory_space<vmem_shared>>) target(%dma_start3A_23 : memref<256x768xf32, #tpu.memory_space<hbm>>) target_semaphore(%run_scoped3A : memref<!tpu.dma_semaphore, #tpu.memory_space<semaphore_mem>>)
      %dma_wait3A = arith.constant 0 : i32
      %dma_wait3A_24 = arith.constant 0 : i32
      %dma_wait3A_25 = tpu.memref_slice %arg3[%add3A_20, %dma_wait3A, %dma_wait3A_24] : memref<256x256x768xf32, #tpu.memory_space<hbm>> -> memref<1x256x768xf32, #tpu.memory_space<hbm>>
      %dma_wait3A_26 = tpu.memref_squeeze %dma_wait3A_25 : memref<1x256x768xf32, #tpu.memory_space<hbm>> -> memref<256x768xf32, #tpu.memory_space<hbm>>
      tpu.wait_dma2 semaphore(%run_scoped3A : memref<!tpu.dma_semaphore, #tpu.memory_space<semaphore_mem>>) src(%arg4 : memref<256x768xf32, #tpu.memory_space<vmem_shared>>) dst(%dma_wait3A_26 : memref<256x768xf32, #tpu.memory_space<hbm>>)
      tpu.yield
    }) : () -> ()
    return
  }
}

module attributes {stable_mosaic.version = 14 : i64} {
  func.func @_mm_kernel(%arg0: memref<256x768xf32, #tpu.memory_space<vmem>>, %arg1: memref<768x768xf32, #tpu.memory_space<vmem>>, %arg2: memref<1x768xf32, #tpu.memory_space<vmem>>, %arg3: memref<256x768xf32, #tpu.memory_space<vmem>>) attributes {dimension_semantics = [], scalar_prefetch = 0 : i64, scratch_operands = 0 : i64, tpu.core_type = #tpu.core_type<tc>} {
    %get3A = arith.constant 0 : index
    %get3A_0 = arith.constant 0 : index
    %get3A_1 = vector.load %arg0[%get3A, %get3A_0] : memref<256x768xf32, #tpu.memory_space<vmem>>, vector<256x768xf32>
    %get3A_2 = arith.constant 0 : index
    %get3A_3 = arith.constant 0 : index
    %get3A_4 = vector.load %arg1[%get3A_2, %get3A_3] : memref<768x768xf32, #tpu.memory_space<vmem>>, vector<768x768xf32>
    %dot_general3A = arith.constant dense<0.000000e+00> : vector<256x768xf32>
    %dot_general3A_5 = tpu.matmul %get3A_1, %get3A_4, %dot_general3A {dimension_numbers = #tpu.dot_dimension_numbers<[1], [1], [0], [0], [0, 0, 1, 0], [], []>, transpose_lhs_hint = false} : vector<256x768xf32>, vector<768x768xf32>, vector<256x768xf32> -> vector<256x768xf32>
    %get3A_6 = arith.constant 0 : index
    %get3A_7 = arith.constant 0 : index
    %get3A_8 = vector.load %arg2[%get3A_6, %get3A_7] : memref<1x768xf32, #tpu.memory_space<vmem>>, vector<1x768xf32>
    %add3A = vector.broadcast %get3A_8 : vector<1x768xf32> to vector<256x768xf32>
    %add3A_9 = arith.addf %dot_general3A_5, %add3A : vector<256x768xf32>
    %max3A = arith.constant 0.000000e+00 : f32
    %max3A_10 = vector.broadcast %max3A : f32 to vector<256x768xf32>
    %max3A_11 = arith.maximumf %add3A_9, %max3A_10 : vector<256x768xf32>
    %swap3A = arith.constant 0 : index
    %swap3A_12 = arith.constant 0 : index
    %swap3A_13 = vector.load %arg3[%swap3A, %swap3A_12] : memref<256x768xf32, #tpu.memory_space<vmem>>, vector<256x768xf32>
    tpu.vector_store %arg3[%swap3A, %swap3A_12], %max3A_11 {strides = array<i32>} : memref<256x768xf32, #tpu.memory_space<vmem>>, vector<256x768xf32>,
    return
  }
}

</mosaic_0001>

<sc_bundles>
// kernel: kernel.4.cloned.1.call-start
scs
__scs_entry_jumppad:
0x0: {  	(pc) =	sbr.rel $0x88, $3  }
0x1: {  	(tag) =	ssettag $0x0;
	lr =	simm.s32 $0x1  }
0x2: {  	[smem:$0x3F9E] =	sst lr;
	_ =	strace $0xD0000000  }
0x3: {  	_ = 	snop  }
0x4: {  	_ = 	snop  }
0x5: {  	_ = 	snop  }
0x6: {  	_ = 	snop  }
0x7: {  	_ = 	snop  }
__scs_overlays_trampoline_lowered:
0x8: {  	[smem:$0x3FAD] =	sst s0  }
0x9: {  	[smem:$0x3FAE] =	sst s1  }
0xa: {  	[smem:$0x3FAF] =	sst s2  }
0xb: {  	[smem:$0x3FB0] =	sst s3  }
0xc: {  	[smem:$0x3FB1] =	sst s4  }
0xd: {  	[smem:$0x3FB2] =	sst s5  }
0xe: {  	[smem:$0x3FB3] =	sst s6  }
0xf: {  	[smem:$0x3FB4] =	sst s7  }
0x10: {  	[smem:$0x3FB5] =	sst s8  }
0x11: {  	[smem:$0x3FB6] =	sst s9;
	s0 =	simm.s32 @!p0 $0x0  }
0x12: {  	s1 =	sld [smem:$0x3F9C];
	s0 =	simm.s32 @p0 $0x1  }
0x13: {  	[smem:$0x3FB7] =	sst s0;
	s0 =	simm.s32 @!p1 $0x0  }
0x14: {  	s2 =	sld [smem:$0x3F9B];
	s0 =	simm.s32 @p1 $0x1  }
0x15: {  	[smem:$0x3FB8] =	sst s0;
	s0 =	simm.s32 @!p2 $0x0  }
0x16: {  	s3 =	sld [smem:$0x3FDB];
	s0 =	simm.s32 @p2 $0x1  }
0x17: {  	s4 =	simm.s32 $0x1BF5;
	[smem:$0x3FBA] =	sst s0  }
0x18: {  	s0 =	sld [smem:$0x3F9D];
	_ =	swait.ge [sflag:s4], $0x0  }
0x19: {  	s7 =	sld [smem:$0x3F9E]  }
0x1a: {  	s8 =	sadd.s32 $0xFFFFE003, lr  }
0x1b: {  	s9 =	sadd.s32 $0xFFFFFEF7, lr;
	s5 =	simm.s32 $0xFFFFFFFF;
	p2 =	slt.u32 s8, $0xFFFFF086  }
0x1c: {  	p1 =	slt.u32 s9, $0xF7A;
	s5 =	simm.s32 @!p2 $0x0  }
0x1d: {  	s5 =	simm.s32 @p1 $0x1;
	p0 =	seq.s32 s7, s2  }
0x1e: {  	s7 =	smul.u32 @!p0 $0xF7A, s2;
	p2 =	seq.s32 @!p0 s5, $0x0  }
0x1f: {  	s9 =	smul.u32 $0xF7A, s1;
	s8 =	simm.s32 @!p0 $0x1BF5;
	p2 =	por !p2, p0  }
0x20: {  	[sflag:s8] =	ssyncset.s32 @!p0 $0xFFFFF086;
	s6 =	sadd.s32 @!p0 s3, s7;
	s7 =	simm.s32 @!p0 $0x108  }
0x21: {  	s3 =	sadd.s32 s3, s9;
	s6 =	sadd.s32 @!p0 $0x88, s6;
	s7 =	simm.s32 @p2 $0x1082  }
0x22: {  	[simem:s7], [sflag:s8] =	dma.local @!p0 [hbm:s6], $0xF7A  }
0x23: {  	s9 =	sor.u32 $0xD0000000, s2;
	s6 =	simm.s32 $0x108;
	_ =	swait.ge @!p0 [sflag:s8], $0x0  }
0x24: {  	s3 =	sadd.s32 $0x88, s3;
	s6 =	simm.s32 @!p1 $0x1082;
	[sflag:s4] =	ssyncset.s32 $0xFFFFF086  }
0x25: {  	[simem:s6], [sflag:s4] =	dma.local [hbm:s3], $0xF7A  }
0x26: {  	[smem:$0x3F9E] =	sst s1;
	(tag) =	ssettag s2;
	_ =	strace s9  }
0x27: {  	s1 =	sld [smem:$0x3FAE]  }
0x28: {  	s2 =	sld [smem:$0x3FAF]  }
0x29: {  	s4 =	sld [smem:$0x3FB1]  }
0x2a: {  	p0 =	seq.s32 s5, $0x0;
	s5 =	sld [smem:$0x3FB2]  }
0x2b: {  	s6 =	sld [smem:$0x3FB3]  }
0x2c: {  	s7 =	sld [smem:$0x3FB4]  }
0x2d: {  	s3 =	simm.s32 $0x108;
	s8 =	sld [smem:$0x3FB5]  }
0x2e: {  	s3 =	simm.s32 @!p0 $0x1082;
	s9 =	sld [smem:$0x3FB6]  }
0x2f: {  	lr =	sadd.s32 s0, s3;
	s0 =	sld [smem:$0x3FAD]  }
0x30: {  	s3 =	sld [smem:$0x3FB0]  }
0x31: {  	[smem:$0x3FB9] =	sst s10  }
0x32: {  	s10 =	sld [smem:$0x3FB7];
	_ =	sdelay $0x3  }
0x33: {  	p0 =	seq.s32 s10, $0x1;
	s10 =	sld [smem:$0x3FB9];
	_ =	sdelay $0x3  }
0x34: {  	[smem:$0x3FB9] =	sst s10  }
0x35: {  	s10 =	sld [smem:$0x3FB8];
	_ =	sdelay $0x3  }
0x36: {  	p1 =	seq.s32 s10, $0x1;
	s10 =	sld [smem:$0x3FB9];
	_ =	sdelay $0x3  }
0x37: {  	[smem:$0x3FB9] =	sst s10  }
0x38: {  	s10 =	sld [smem:$0x3FBA]  }
0x39: {  	_ = 	snop;
	(pc) =	sbr.ind lr, $3  }
0x3a: {  	_ = 	snop  }
0x3b: {  	_ = 	snop  }
0x3c: {  	p2 =	seq.s32 s10, $0x1;
	s10 =	sld [smem:$0x3FB9]  }
0x3d: {  	_ =	shalt  }
0x3e: {  	_ =	shalt  }
0x3f: {  	_ =	shalt  }
0x40: {  	_ =	shalt  }
0x41: {  	_ =	shalt  }
0x42: {  	_ =	shalt  }
0x43: {  	_ =	shalt  }
0x44: {  	_ =	shalt  }
0x45: {  	_ =	shalt  }
0x46: {  	_ =	shalt  }
0x47: {  	_ =	shalt  }
0x48: {  	_ =	shalt  }
0x49: {  	_ =	shalt  }
0x4a: {  	_ =	shalt  }
0x4b: {  	_ =	shalt  }
0x4c: {  	_ =	shalt  }
0x4d: {  	_ =	shalt  }
0x4e: {  	_ =	shalt  }
0x4f: {  	_ =	shalt  }
0x50: {  	_ =	shalt  }
0x51: {  	_ =	shalt  }
0x52: {  	_ =	shalt  }
0x53: {  	_ =	shalt  }
0x54: {  	_ =	shalt  }
0x55: {  	_ =	shalt  }
0x56: {  	_ =	shalt  }
0x57: {  	_ =	shalt  }
0x58: {  	_ =	shalt  }
0x59: {  	_ =	shalt  }
0x5a: {  	_ =	shalt  }
0x5b: {  	_ =	shalt  }
0x5c: {  	_ =	shalt  }
0x5d: {  	_ =	shalt  }
0x5e: {  	_ =	shalt  }
0x5f: {  	_ =	shalt  }
0x60: {  	_ =	shalt  }
0x61: {  	_ =	shalt  }
0x62: {  	_ =	shalt  }
0x63: {  	_ =	shalt  }
0x64: {  	_ =	shalt  }
0x65: {  	_ =	shalt  }
0x66: {  	_ =	shalt  }
0x67: {  	_ =	shalt  }
0x68: {  	_ =	shalt  }
0x69: {  	_ =	shalt  }
0x6a: {  	_ =	shalt  }
0x6b: {  	_ =	shalt  }
0x6c: {  	_ =	shalt  }
0x6d: {  	_ =	shalt  }
0x6e: {  	_ =	shalt  }
0x6f: {  	_ =	shalt  }
0x70: {  	_ =	shalt  }
0x71: {  	_ =	shalt  }
0x72: {  	_ =	shalt  }
0x73: {  	_ =	shalt  }
0x74: {  	_ =	shalt  }
0x75: {  	_ =	shalt  }
0x76: {  	_ =	shalt  }
0x77: {  	_ =	shalt  }
0x78: {  	_ =	shalt  }
0x79: {  	_ =	shalt  }
0x7a: {  	_ =	shalt  }
0x7b: {  	_ =	shalt  }
0x7c: {  	_ =	shalt  }
0x7d: {  	_ =	shalt  }
0x7e: {  	_ =	shalt  }
0x7f: {  	_ =	shalt  }
0x80: {  	_ =	shalt  }
0x81: {  	_ =	shalt  }
0x82: {  	_ =	shalt  }
0x83: {  	_ =	shalt  }
0x84: {  	_ =	shalt  }
0x85: {  	_ =	shalt  }
0x86: {  	_ =	shalt  }
0x87: {  	_ =	shalt  }
.Lfunc_end0:
.L_simem_size_0:
called_computation_lowered:
.L_overlay_start_0:
0x88: {  	s2 =	sld [smem:$0x3FD9]  }
0x89: {  	s3 =	sld [smem:$0x3FFE];
	_ =	sdelay $0x1  }
0x8a: {  	s1 =	srdreg.scid  }
0x8b: {  	s0 =	sand.u32 $0x1, s1  }
0x8c: {  	s17 =	sshll.u32 s0, $0xA;
	s2 =	sadd.s32 s3, s2  }
0x8d: {  	s2 =	sadd.s32 s2, s17  }
0x8e: {  	[smem:$0x3FC5] =	sst s2  }
0x8f: {  	_ = 	snop  }
0x90: {  	s2 =	sld [smem:$0x3FD0];
	(tm) =	ssettm $0x1  }
0x91: {  	s18 =	sld [smem:$0x3FFB];
	_ =	sdelay $0x3  }
0x92: {  	_ =	strace s18  }
0x93: {  	s3 =	sld [smem:$0x3FFC];
	_ =	sdelay $0x3  }
0x94: {  	_ =	strace s3  }
0x95: {  	s3 =	sld [smem:$0x3FFD];
	_ =	sdelay $0x3  }
0x96: {  	_ =	strace s3  }
0x97: {  	_ =	strace $0x8FFFFFFF  }
0x98: {  	s19 =	sld [smem:$0x3FDB];
	_ =	sdelay $0x1  }
0x99: {  	s4 =	simm.s32 $_scs_section_size  }
0x9a: {  	s5 =	simm.s32 $_size__tile_overlayer_lowered;
	s6 =	simm.s32 $_tile_overlayer_lowered  }
0x9b: {  	s22 =	simm.s32 $0x1BFF;
	s21 =	sshll.u32 s6, $0x1;
	s3 =	sadd.s32 s4, s19  }
0x9c: {  	s7 =	simm.s32 $0x0;
	s20 =	sshll.u32 s5, $0x1;
	s5 =	sadd.s32 s21, s3  }
0x9d: {  	[timem:s7], [sflag:s22] =	dma.local [hbm:s5], s20  }
0x9e: {  	_ =	swait.ge [sflag:s22], s20  }
0x9f: {  	s4 =	ssub.s32 $0x0, s20;
	[sflag:s22] =	ssyncset.done $0x0  }
0xa0: {  	[sflag:s22] =	ssyncadd.s32 s4;
	_ =	sdelay $0x1  }
0xa1: {  	s23 =	simm.s32 $0x1B8B  }
0xa2: {  	_ =	swait.ge [sflag:s23], $0x1  }
0xa3: {  	[sflag:s23] =	ssyncset.done $0x0  }
0xa4: {  	s25 =	simm.s32 $0x1B8E;
	s24 =	sld [smem:$0x3FFE];
	[sflag:s23] =	ssyncadd.s32 $0xFFFFFFFF  }
0xa5: {  	s26 =	simm.s32 $execute0_lowered;
	[smem:$0x3FD2] =	sst s25  }
0xa6: {  	s5 =	sshll.u32 s26, $0x1;
	_ =	strace $0x80000046;
	[dreg:$0x1] =	wrdreg $0xFFFFFFFF  }
0xa7: {  	s28 =	simm.s32 $_size_execute0_lowered;
	s3 =	sadd.s32 s3, s5;
	[dreg:$0x0] =	wrdreg $0x0  }
0xa8: {  	s5 =	sshll.u32 s28, $0x1;
	[dreg:$0x2] =	wrdreg s3  }
0xa9: {  	[dreg:$0x3] =	wrdreg s5  }
0xaa: {  	[dreg:$0x4] =	wrdreg $0xC0  }
0xab: {  	_ =	task [dreg:s7], $0x5FFFF  }
0xac: {  	[dreg:$0x1] =	wrdreg $0xFFFFFFFF  }
0xad: {  	[dreg:$0x0] =	wrdreg $0x60  }
0xae: {  	[dreg:$0x2] =	wrdreg s24  }
0xaf: {  	[dreg:$0x3] =	wrdreg s2  }
0xb0: {  	[dreg:$0x4] =	wrdreg $0x0  }
0xb1: {  	[dreg:$0x5] =	wrdreg $0x9  }
0xb2: {  	_ =	task.clear_ibuf [dreg:s7], $0x6FFFF;
	_ =	strace $0x90000046  }
0xb3: {  	s29 =	simm.s32 $0x9;
	_ =	strace $0x80000048  }
0xb4: {  	_ =	swait.ge [sflag:s29], $0x1  }
0xb5: {  	[sflag:s29] =	ssyncadd.s32 $0xFFFFFFFF  }
0xb6: {  	_ =	strace $0x90000048  }
0xb7: {  	_ =	sfence  }
0xb8: {  	s30 =	sld [smem:$0x0];
	_ =	sdelay $0x2  }
0xb9: {  	s31 =	sshll.u32 s1, $0xD;
	s1 =	sshrl.u32 s1, $0x2  }
0xba: {  	s3 =	sand.u32 $0x4000, s31;
	s1 =	sadd.s32 s1, s30  }
0xbb: {  	s0 =	sor.u32 s3, s0;
	s1 =	sshll.u32 s1, $0x11  }
0xbc: {  	s0 =	sor.u32 s1, s0  }
0xbd: {  	s0 =	sadd.s32 $0x8F2B, s0  }
0xbe: {  	[sflag:s0] =	ssyncadd.remote.s32 $0x1  }
0xbf: {  	_ =	sfence.sel $0xFFFF  }
0xc0: {  	[dreg:$0x0] =	wrdreg $0xFFFFFFFF;
	(pc) =	sbr.abs _section_cstart, $3  }
0xc1: {  	[dreg:$0x1] =	wrdreg $0xFFFFFFFF  }
0xc2: {  	_ =	task.clear_ibuf [dreg:s7], $0x2FFFF;
	_ =	strace $0x9FFFFFFF  }
0xc3: {  	(tm) =	ssettm $0x7FFFFFFF  }
tec
execute0_lowered:
.L_overlay_start_1:
0x0: {  	(tag) =	ssettag $0x1  }
0x1: {  	s0 =	srdreg.scid;
	s1 =	rddreg [dreg:$0x0]  }
0x2: {  	s4 =	stileid.u32;
	s3 =	rddreg [dreg:$0x1]  }
0x3: {  	s6 =	rddreg [dreg:$0x2];
	s7 =	simm.s32 $0x0;
	s2 =	sand.u32 $0x1, s0  }
0x4: {  	p1 =	por $0x0, $0x0;
	s0 =	sshll.u32 s2, $0x7;
	s2 =	ssub.s32 $0x2, s2  }
0x5: {  	s5 =	sshll.u32 s4, $0x3;
	[smem:$0x7FF] =	sst s7;
	s29 =	sshrl.u32 s2, $0x1  }
0x6: {  	s12 =	sadd.s32 $0xA00, s1;
	p0 =	sne.s32 s4, $0x0;
	s13 =	ssub.s32 s2, s29  }
0x7: {  	s4 =	sshll.u32 s4, $0x6;
	s5 =	sor.u32 s5, s0;
	s31 =	smax.u32 s13, $0x1  }
0x8: {  	s4 =	sor.u32 $0x1C01, s4;
	s8 =	smul.u32 $0x6000, s5;
	s16 =	sadd.s32 $0xFFFFFFFF, s31  }
0x9: {  	s0 =	rddreg [dreg:$0x3];
	s5 =	smul.u32 $0x30000, s5;
	p2 =	sne.s32 s16, $0x0  }
.Ltmp0:
0xa: {  	_ =	strace $0x80000047;
	s13 =	sshrl.u32 @!p0 s6, $0x3;
	(pc) =	sbr.rel @!p2 .LBB2_3-.Ltmp0, $4  }
0xb: {  	s6 =	sshrl.u32 s6, $0x3;
	s11 =	sadd.s32 s3, s8;
	s30 =	sshrl.u32 s5, $0x3  }
0xc: {  	s5 =	simm.s32 $0x1;
	s10 =	sadd.s32 $0x6000, s11;
	s1 =	sadd.s32 s3, s30  }
0xd: {  	s9 =	sadd.s32 $0xC000, s11;
	s8 =	sadd.s32 $0x12000, s1;
	s7 =	sadd.s32 $0x18000, s1  }
0xe: {  	s3 =	sadd.s32 $0x1E000, s1;
	s2 =	sadd.s32 $0x24000, s1;
	s1 =	sadd.s32 $0x2A000, s1  }
0xf: {  	s14 =	simm.s32 @!p0 $0x1C01;
	s15 =	simm.s32 @!p0 $0x1  }
0x10: {  	[spmem:s13], [sflag:s14] =	dma.local @!p0 [hbm:s12], $0x6000  }
0x11: {  	_ =	swait.ge @!p0 [sflag:s15], $0x6000  }
0x12: {  	[sflag:s15] =	ssyncset.done @!p0 $0x0  }
0x13: {  	[sflag:s15] =	ssyncadd.s32 @!p0 $0xFFFFA000  }
0x14: {  	[bflag:$0x0] =	sbarrier.arrive $0xFFFF  }
0x15: {  	[hbm:s11], [sflag:s4] =	dma.local [spmem:s6], $0x6000  }
0x16: {  	_ =	swait.ge [sflag:s5], $0x6000  }
0x17: {  	[sflag:s5] =	ssyncset.done $0x0  }
0x18: {  	[sflag:s5] =	ssyncadd.s32 $0xFFFFA000  }
0x19: {  	[hbm:s10], [sflag:s4] =	dma.local [spmem:s6], $0x6000  }
0x1a: {  	_ =	swait.ge [sflag:s5], $0x6000  }
0x1b: {  	[sflag:s5] =	ssyncset.done $0x0  }
0x1c: {  	[sflag:s5] =	ssyncadd.s32 $0xFFFFA000  }
0x1d: {  	[hbm:s9], [sflag:s4] =	dma.local [spmem:s6], $0x6000  }
0x1e: {  	_ =	swait.ge [sflag:s5], $0x6000  }
0x1f: {  	[sflag:s5] =	ssyncset.done $0x0  }
0x20: {  	[sflag:s5] =	ssyncadd.s32 $0xFFFFA000  }
0x21: {  	[hbm:s8], [sflag:s4] =	dma.local [spmem:s6], $0x6000  }
0x22: {  	_ =	swait.ge [sflag:s5], $0x6000  }
0x23: {  	[sflag:s5] =	ssyncset.done $0x0  }
0x24: {  	[sflag:s5] =	ssyncadd.s32 $0xFFFFA000  }
0x25: {  	[hbm:s7], [sflag:s4] =	dma.local [spmem:s6], $0x6000  }
0x26: {  	_ =	swait.ge [sflag:s5], $0x6000  }
0x27: {  	[sflag:s5] =	ssyncset.done $0x0  }
0x28: {  	[sflag:s5] =	ssyncadd.s32 $0xFFFFA000  }
0x29: {  	[hbm:s3], [sflag:s4] =	dma.local [spmem:s6], $0x6000  }
0x2a: {  	_ =	swait.ge [sflag:s5], $0x6000  }
0x2b: {  	[sflag:s5] =	ssyncset.done $0x0  }
0x2c: {  	s16 =	sadd.s32 $0xFFFFFFFF, s16;
	[sflag:s5] =	ssyncadd.s32 $0xFFFFA000  }
0x2d: {  	[hbm:s2], [sflag:s4] =	dma.local [spmem:s6], $0x6000  }
0x2e: {  	p2 =	sne.s32 s16, $0x0;
	_ =	swait.ge [sflag:s5], $0x6000  }
.Ltmp1:
0x2f: {  	[sflag:s5] =	ssyncset.done $0x0;
	(pc) =	sbr.rel @!p2 .LBB2_3-.Ltmp1, $4  }
0x30: {  	[sflag:s5] =	ssyncadd.s32 $0xFFFFA000  }
0x31: {  	[hbm:s1], [sflag:s4] =	dma.local [spmem:s6], $0x6000  }
0x32: {  	_ =	swait.ge [sflag:s5], $0x6000  }
0x33: {  	p1 =	por $0x1, $0x1;
	[sflag:s5] =	ssyncset.done $0x0  }
.LBB2_2:
0x34: {  	[sflag:s5] =	ssyncadd.s32 $0xFFFFA000  }
0x35: {  	[spmem:s13], [sflag:s14] =	dma.local @!p0 [hbm:s12], $0x6000  }
0x36: {  	s16 =	sadd.s32 $0xFFFFFFFF, s16;
	_ =	swait.ge @!p0 [sflag:s15], $0x6000  }
0x37: {  	p2 =	sne.s32 s16, $0x0;
	[sflag:s15] =	ssyncset.done @!p0 $0x0  }
0x38: {  	[sflag:s15] =	ssyncadd.s32 @!p0 $0xFFFFA000  }
0x39: {  	[bflag:$0x0] =	sbarrier.arrive $0xFFFF  }
0x3a: {  	[hbm:s11], [sflag:s4] =	dma.local [spmem:s6], $0x6000  }
0x3b: {  	_ =	swait.ge [sflag:s5], $0x6000  }
0x3c: {  	[sflag:s5] =	ssyncset.done $0x0  }
0x3d: {  	[sflag:s5] =	ssyncadd.s32 $0xFFFFA000  }
0x3e: {  	[hbm:s10], [sflag:s4] =	dma.local [spmem:s6], $0x6000  }
0x3f: {  	_ =	swait.ge [sflag:s5], $0x6000  }
0x40: {  	[sflag:s5] =	ssyncset.done $0x0  }
0x41: {  	[sflag:s5] =	ssyncadd.s32 $0xFFFFA000  }
0x42: {  	[hbm:s9], [sflag:s4] =	dma.local [spmem:s6], $0x6000  }
0x43: {  	_ =	swait.ge [sflag:s5], $0x6000  }
0x44: {  	[sflag:s5] =	ssyncset.done $0x0  }
0x45: {  	[sflag:s5] =	ssyncadd.s32 $0xFFFFA000  }
0x46: {  	[hbm:s8], [sflag:s4] =	dma.local [spmem:s6], $0x6000  }
0x47: {  	_ =	swait.ge [sflag:s5], $0x6000  }
0x48: {  	[sflag:s5] =	ssyncset.done $0x0  }
0x49: {  	[sflag:s5] =	ssyncadd.s32 $0xFFFFA000  }
0x4a: {  	[hbm:s7], [sflag:s4] =	dma.local [spmem:s6], $0x6000  }
0x4b: {  	_ =	swait.ge [sflag:s5], $0x6000  }
0x4c: {  	[sflag:s5] =	ssyncset.done $0x0  }
0x4d: {  	[sflag:s5] =	ssyncadd.s32 $0xFFFFA000  }
0x4e: {  	[hbm:s3], [sflag:s4] =	dma.local [spmem:s6], $0x6000  }
0x4f: {  	_ =	swait.ge [sflag:s5], $0x6000  }
0x50: {  	[sflag:s5] =	ssyncset.done $0x0  }
0x51: {  	[sflag:s5] =	ssyncadd.s32 $0xFFFFA000  }
0x52: {  	[hbm:s2], [sflag:s4] =	dma.local [spmem:s6], $0x6000  }
0x53: {  	_ =	swait.ge [sflag:s5], $0x6000  }
.Ltmp2:
0x54: {  	[sflag:s5] =	ssyncset.done $0x0;
	(pc) =	sbr.rel @p2 .LBB2_2-.Ltmp2, $4  }
0x55: {  	[sflag:s5] =	ssyncadd.s32 $0xFFFFA000  }
0x56: {  	[hbm:s1], [sflag:s4] =	dma.local [spmem:s6], $0x6000  }
0x57: {  	_ =	swait.ge [sflag:s5], $0x6000  }
0x58: {  	[sflag:s5] =	ssyncset.done $0x0  }
.LBB2_3:
0x59: {  	s14 =	simm.s32 @!p0 $0x1C01;
	s15 =	simm.s32 @!p0 $0x1;
	[sflag:s5] =	ssyncadd.s32 @p1 $0xFFFFA000  }
0x5a: {  	[spmem:s13], [sflag:s14] =	dma.local @!p0 [hbm:s12], $0x6000  }
0x5b: {  	_ =	swait.ge @!p0 [sflag:s15], $0x6000  }
0x5c: {  	[sflag:s15] =	ssyncset.done @!p0 $0x0  }
0x5d: {  	[sflag:s15] =	ssyncadd.s32 @!p0 $0xFFFFA000  }
0x5e: {  	[bflag:$0x0] =	sbarrier.arrive $0xFFFF  }
0x5f: {  	[hbm:s11], [sflag:s4] =	dma.local [spmem:s6], $0x6000  }
0x60: {  	_ =	swait.ge [sflag:s5], $0x6000  }
0x61: {  	[sflag:s5] =	ssyncset.done $0x0  }
0x62: {  	[sflag:s5] =	ssyncadd.s32 $0xFFFFA000  }
0x63: {  	[hbm:s10], [sflag:s4] =	dma.local [spmem:s6], $0x6000  }
0x64: {  	_ =	swait.ge [sflag:s5], $0x6000  }
0x65: {  	[sflag:s5] =	ssyncset.done $0x0  }
0x66: {  	[sflag:s5] =	ssyncadd.s32 $0xFFFFA000  }
0x67: {  	[hbm:s9], [sflag:s4] =	dma.local [spmem:s6], $0x6000  }
0x68: {  	_ =	swait.ge [sflag:s5], $0x6000  }
0x69: {  	[sflag:s5] =	ssyncset.done $0x0  }
0x6a: {  	[sflag:s5] =	ssyncadd.s32 $0xFFFFA000  }
0x6b: {  	[hbm:s8], [sflag:s4] =	dma.local [spmem:s6], $0x6000  }
0x6c: {  	_ =	swait.ge [sflag:s5], $0x6000  }
0x6d: {  	[sflag:s5] =	ssyncset.done $0x0  }
0x6e: {  	[sflag:s5] =	ssyncadd.s32 $0xFFFFA000  }
0x6f: {  	[hbm:s7], [sflag:s4] =	dma.local [spmem:s6], $0x6000  }
0x70: {  	_ =	swait.ge [sflag:s5], $0x6000  }
0x71: {  	[sflag:s5] =	ssyncset.done $0x0  }
0x72: {  	[sflag:s5] =	ssyncadd.s32 $0xFFFFA000  }
0x73: {  	[hbm:s3], [sflag:s4] =	dma.local [spmem:s6], $0x6000  }
0x74: {  	_ =	swait.ge [sflag:s5], $0x6000  }
0x75: {  	[sflag:s5] =	ssyncset.done $0x0  }
0x76: {  	[sflag:s5] =	ssyncadd.s32 $0xFFFFA000  }
0x77: {  	[hbm:s2], [sflag:s4] =	dma.local [spmem:s6], $0x6000  }
0x78: {  	_ =	swait.ge [sflag:s5], $0x6000  }
0x79: {  	[sflag:s5] =	ssyncset.done $0x0  }
0x7a: {  	[sflag:s5] =	ssyncadd.s32 $0xFFFFA000  }
0x7b: {  	[hbm:s1], [sflag:s4] =	dma.local [spmem:s6], $0x6000  }
0x7c: {  	_ =	swait.ge [sflag:s5], $0x6000  }
0x7d: {  	[sflag:s5] =	ssyncset.done $0x0  }
0x7e: {  	[sflag:s5] =	ssyncadd.s32 $0xFFFFA000  }
0x7f: {  	_ =	sfence.sel $0x180000  }
0x80: {  	[bflag:$0x0] =	sbarrier.arrive $0xFFFF  }
0x81: {  	_ =	strace $0x90000047  }
0x82: {  	s0 =	sadd.s32 @!p0 $0x100000, s0;
	[bflag:$0x2] =	sbarrier.arrive $0xFFFF  }
0x83: {  	[sflag:s0] =	ssyncadd.tile.s32 @!p0 $0x1;
	_ =	shalt  }
.Lfunc_end2:
_tile_overlayer_lowered:
.L_overlay_start_2:
0x84: {  	(tag) =	ssettag $0x2  }
0x85: {  	s0 =	rddreg [dreg:$0x0];
	s2 =	stileid.u32  }
0x86: {  	s1 =	rddreg [dreg:$0x1];
	p0 =	sne.s32 s2, $0x0  }
0x87: {  	s3 =	rddreg [dreg:$0x2];
	[bflag:$0x3] =	sbarrier.arrive $0xFFFF;
	s2 =	simm.s32 @!p0 $0x1C01  }
0x88: {  	[timem:s3], [sflag:s2] =	dma.local @!p0 [hbm:s0], s1  }
0x89: {  	s0 =	simm.s32 @!p0 $0x1  }
0x8a: {  	_ =	swait.ge @!p0 [sflag:s0], s1  }
0x8b: {  	s1 =	ssub.s32 @!p0 $0x0, s1;
	[sflag:s0] =	ssyncset.done @!p0 $0x0  }
0x8c: {  	[sflag:s0] =	ssyncadd.s32 @!p0 s1  }
0x8d: {  	[bflag:$0x3] =	sbarrier.arrive $0xFFFF  }
0x8e: {  	_ =	shalt  }

</sc_bundles>
